<compile_context>
chip_gen: v7x
topology: tpu7x:2x2x1
jax: 0.10.2.dev20260603
libtpu: 0.0.44.dev20260713+nightly
codegen_flags: <defaults>
</compile_context>

<pallas_src>
import functools

import jax
import jax.numpy as jnp
from jax import lax
from jax.experimental import pallas as pl
from jax.experimental.pallas import tpu as pltpu
from jax.experimental.pallas import tpu_sc as plsc

_B = 1024
_NM = 200
_EMB = 128
_MAX_CHG = 2000
_N = _B * _NM
_CHG_ROWS = 2 * _MAX_CHG + 1
_TIME_ROWS = 14400 // 5 + 1

_SC_CORES = 2
_SC_SUBCORES = 16
_NW = _SC_CORES * _SC_SUBCORES
_GK = 256
_NH = 1
_BH = _B // _NH


def _idx_body(c3_ref, c4_ref, chg_ref, time_ref):
    c3 = c3_ref[...]
    c4 = c4_ref[...]
    d3 = c3 - c3[:, 0:1]
    d4 = c4 - c4[:, 0:1]
    b = lax.broadcasted_iota(jnp.int32, (_B, 1), 0)
    rep_off = ((b % _BH) // (_BH // 16)) * (_CHG_ROWS + _TIME_ROWS)
    chg_ref[...] = rep_off + jnp.clip(d3, -_MAX_CHG, _MAX_CHG) + _MAX_CHG
    time_ref[...] = rep_off + _CHG_ROWS + d4 // 5


def _idx_call(c3, c4):
    return pl.pallas_call(
        _idx_body,
        out_shape=[
            jax.ShapeDtypeStruct((_B, _NM), jnp.int32),
            jax.ShapeDtypeStruct((_B, _NM), jnp.int32),
        ],
    )(c3, c4)


def _sc_gather_call(table, gidx):
    total = gidx.shape[0]
    per_w = total // _NW
    nch = per_w // _GK
    assert nch % 2 == 0
    mesh = plsc.VectorSubcoreMesh(core_axis_name="c", subcore_axis_name="s")

    @functools.partial(
        pl.kernel,
        mesh=mesh,
        out_type=jax.ShapeDtypeStruct((total, _EMB), jnp.float32),
        scratch_types=[
            pltpu.VMEM((per_w,), jnp.int32),
            pltpu.VMEM((_GK, _EMB), jnp.float32),
            pltpu.VMEM((_GK, _EMB), jnp.float32),
            pltpu.SemaphoreType.DMA,
            pltpu.SemaphoreType.DMA,
            pltpu.SemaphoreType.DMA,
            pltpu.SemaphoreType.DMA,
        ],
    )
    def k(table_hbm, idx_hbm, out_hbm, idx_v, r0, r1, g0, g1, w0, w1):
        sid = lax.axis_index("s")
        wid = sid * _SC_CORES + lax.axis_index("c")
        base = wid * per_w
        pltpu.sync_copy(idx_hbm.at[pl.ds(base, per_w)], idx_v)

        def gather(c, buf, sem):
            return pltpu.make_async_copy(
                table_hbm.at[idx_v.at[pl.ds(c * _GK, _GK)]], buf, sem)

        def writeout(c, buf, sem):
            return pltpu.make_async_copy(
                buf, out_hbm.at[pl.ds(base + c * _GK, _GK)], sem)

        gather(0, r0, g0).start()
        gather(1, r1, g1).start()

        @pl.loop(0, nch // 2 - 1)
        def _(p):
            c0 = 2 * p
            gather(c0, r0, g0).wait()
            writeout(c0, r0, w0).start()
            gather(c0 + 1, r1, g1).wait()
            writeout(c0 + 1, r1, w1).start()
            writeout(c0, r0, w0).wait()
            gather(c0 + 2, r0, g0).start()
            writeout(c0 + 1, r1, w1).wait()
            gather(c0 + 3, r1, g1).start()

        c0 = nch - 2
        gather(c0, r0, g0).wait()
        writeout(c0, r0, w0).start()
        gather(c0 + 1, r1, g1).wait()
        writeout(c0 + 1, r1, w1).start()
        writeout(c0, r0, w0).wait()
        writeout(c0 + 1, r1, w1).wait()

    return k(table, gidx)


def _combine_body(oi_ref, lob_ref, g1_ref, g2_ref, ts_ref, wot_ref,
                  wlob_ref, blob_ref, gam_ref, bet_ref, out_ref):
    oi = oi_ref[...]
    pl_i = (oi >> 13) & 127
    pv_i = (oi >> 6) & 127
    in_i = oi & 63
    j = lax.broadcasted_iota(jnp.int32, (1, 320), 1)
    oh = ((j == pl_i) | (j == 128 + pv_i) | (j == 256 + in_i))
    small = jnp.dot(oh.astype(jnp.float32), ts_ref[...],
                    preferred_element_type=jnp.float32)
    ot = oi >> 20
    ot_tok = jnp.where(ot == 0, wot_ref[0:1, :],
                       jnp.where(ot == 1, wot_ref[1:2, :], wot_ref[2:3, :]))
    x = jnp.dot(lob_ref[...], wlob_ref[...],
                preferred_element_type=jnp.float32) + blob_ref[...]
    mu = jnp.mean(x, axis=1, keepdims=True)
    xc = x - mu
    var = jnp.mean(xc * xc, axis=1, keepdims=True)
    ln = xc / jnp.sqrt(var + 1e-5) * gam_ref[...] + bet_ref[...]
    gsum = g1_ref[...].astype(jnp.float32) + g2_ref[...].astype(jnp.float32)
    out_ref[...] = small + ot_tok + gsum + ln


def _combine_call(oi, lob, gath, ts, wot, wlob, blob, gam, bet, rows_per_step=1024):
    n_steps = oi.shape[0] // rows_per_step
    r = rows_per_step
    return pl.pallas_call(
        _combine_body,
        grid=(n_steps,),
        in_specs=[
            pl.BlockSpec((r, 1), lambda i: (i, 0)),
            pl.BlockSpec((r, 10), lambda i: (i, 0)),
            pl.BlockSpec((r, _EMB), lambda i: (i, 0)),
            pl.BlockSpec((r, _EMB), lambda i, _n=n_steps: (i + _n, 0)),
            pl.BlockSpec((320, _EMB), lambda i: (0, 0)),
            pl.BlockSpec((3, _EMB), lambda i: (0, 0)),
            pl.BlockSpec((10, _EMB), lambda i: (0, 0)),
            pl.BlockSpec((1, _EMB), lambda i: (0, 0)),
            pl.BlockSpec((1, _EMB), lambda i: (0, 0)),
            pl.BlockSpec((1, _EMB), lambda i: (0, 0)),
        ],
        out_specs=pl.BlockSpec((r, _EMB), lambda i: (i, 0)),
        out_shape=jax.ShapeDtypeStruct((oi.shape[0], _EMB), jnp.float32),
        compiler_params=pltpu.CompilerParams(
            dimension_semantics=("parallel",)),
    )(oi, lob, gath, gath, ts, wot, wlob, blob, gam, bet)


def kernel(features, W_order_type, W_price_level, W_pred_order_volume,
           W_order_interval, W_chg_to_open, W_time_to_open, W_lob, b_lob,
           ln_gamma, ln_beta):
    X = features.reshape(_B, _NM, 15)
    c3 = X[:, :, 3]
    c4 = X[:, :, 4]

    chg_gidx, time_gidx = _idx_call(c3, c4)
    table = jnp.tile(jnp.concatenate([W_chg_to_open, W_time_to_open],
                                     axis=0), (16, 1))
    ts = jnp.concatenate([W_price_level, W_pred_order_volume,
                          W_order_interval], axis=0)

    nh = _BH * _NM
    outs = []
    for h in range(_NH):
        sl = slice(h * _BH, (h + 1) * _BH)
        gidx = jnp.concatenate([chg_gidx[sl].reshape(-1),
                                time_gidx[sl].reshape(-1)])
        gath = _sc_gather_call(table, gidx)
        oi = X[sl, :, 0].reshape(nh, 1)
        lob = X[sl, :, 5:15].reshape(nh, 10).astype(jnp.float32)
        outs.append(_combine_call(
            oi, lob, gath, ts, W_order_type, W_lob,
            b_lob.reshape(1, _EMB), ln_gamma.reshape(1, _EMB),
            ln_beta.reshape(1, _EMB)))
    out = jnp.concatenate(outs, axis=0)
    return out.reshape(_B, _NM * _EMB)

# --- scband reference (transcript-rebuilt; emitter-appended) ---
"""Pipeline reference for scband-order-tokenizer-3315714752540 (READ-ONLY COPY).

The authoritative reference and input builder live on the scoring server;
editing this copy changes nothing except your own understanding.
"""

import jax, jax.numpy as jnp
import numpy as np

B = 1024
NM = 200
DIM_ORDER = 15
EMB = 128
P = 128
V = 128
I = 64
MAX_CHG = 2000


def setup_inputs(seed: int = 0) -> dict:
    key = jax.random.key(seed)
    ks = jax.random.split(key, 12)
    s = 0.02
    # fill=arange: row-major arange reshaped. This guarantees in-range indices:
    # order_index < B*NM*15 = 3072000 < 3*P*V*I = 3145728, and the per-sample
    # subtraction of the first order's chg/time makes columns 3/4 equal to o*15 >= 0.
    features = jnp.arange(B * NM * DIM_ORDER, dtype=jnp.int32).reshape(B, NM * DIM_ORDER)
    return {
        "features": features,
        "W_order_type": jax.random.normal(ks[0], (3, EMB), jnp.float32) * s,
        "W_price_level": jax.random.normal(ks[1], (P, EMB), jnp.float32) * s,
        "W_pred_order_volume": jax.random.normal(ks[2], (V, EMB), jnp.float32) * s,
        "W_order_interval": jax.random.normal(ks[3], (I, EMB), jnp.float32) * s,
        "W_chg_to_open": jax.random.normal(ks[4], (MAX_CHG * 2 + 1, EMB), jnp.float32) * s,
        "W_time_to_open": jax.random.normal(ks[5], (14400 // 5 + 1, EMB), jnp.float32) * s,
        "W_lob": jax.random.normal(ks[6], (10, EMB), jnp.float32) * s,
        "b_lob": jnp.zeros((EMB,), jnp.float32),
        "ln_gamma": jnp.ones((EMB,), jnp.float32),
        "ln_beta": jnp.zeros((EMB,), jnp.float32),
    }


def reference(features, W_order_type, W_price_level, W_pred_order_volume, W_order_interval, W_chg_to_open, W_time_to_open, W_lob, b_lob, ln_gamma, ln_beta):
    f = features.reshape(B, NM, DIM_ORDER)
    base3 = f[:, 0, 3]
    base4 = f[:, 0, 4]
    f = f.at[:, :, 3].set(f[:, :, 3] - base3[:, None])
    f = f.at[:, :, 4].set(f[:, :, 4] - base4[:, None])
    flat = f.reshape(B * NM, DIM_ORDER)
    oi = flat[:, 0]
    order_type = oi // (P * V * I)
    price_level = (oi % (P * V * I)) // (V * I)
    pred_order_volume = (oi % (V * I)) // I
    order_interval = oi % I
    chg_idx = jnp.clip(flat[:, 3], -MAX_CHG, MAX_CHG) + MAX_CHG
    time_idx = flat[:, 4] // 5
    lob = flat[:, 5:15].astype(jnp.float32)
    lob_tok = lob @ W_lob + b_lob
    mu = jnp.mean(lob_tok, axis=-1, keepdims=True)
    var = jnp.var(lob_tok, axis=-1, keepdims=True)
    lob_tok = (lob_tok - mu) / jnp.sqrt(var + 1e-5) * ln_gamma + ln_beta
    tokens = (jnp.take(W_order_type, order_type, axis=0)
              + jnp.take(W_price_level, price_level, axis=0)
              + jnp.take(W_pred_order_volume, pred_order_volume, axis=0)
              + jnp.take(W_order_interval, order_interval, axis=0)
              + jnp.take(W_chg_to_open, chg_idx, axis=0)
              + jnp.take(W_time_to_open, time_idx, axis=0)
              + lob_tok)
    return tokens.reshape(B, NM * EMB)

if __name__ == "__main__":
    import jax
    _d = setup_inputs()
    print(jax.jit(kernel)(*tuple(_d.values())))

</pallas_src>

<mosaic_0001>
#map = affine_map<(d0, d1) -> (0, 0)>
#map1 = affine_map<(d0, d1) -> (0)>
module attributes {stable_mosaic.version = 14 : i64} {
  func.func @k(%arg0: i32, %arg1: i32, %arg2: memref<110112x128xf32, #tpu.memory_space<hbm>>, %arg3: memref<409600xi32, #tpu.memory_space<hbm>>, %arg4: memref<409600x128xf32, #tpu.memory_space<hbm>>, %arg5: memref<12800xi32, #tpu.memory_space<vmem>>, %arg6: memref<256x128xf32, #tpu.memory_space<vmem>>, %arg7: memref<256x128xf32, #tpu.memory_space<vmem>>, %arg8: memref<!tpu.dma_semaphore, #tpu.memory_space<semaphore_mem>>, %arg9: memref<!tpu.dma_semaphore, #tpu.memory_space<semaphore_mem>>, %arg10: memref<!tpu.dma_semaphore, #tpu.memory_space<semaphore_mem>>, %arg11: memref<!tpu.dma_semaphore, #tpu.memory_space<semaphore_mem>>) attributes {dimension_semantics = [#tpu.dimension_semantics<core_parallel>, #tpu.dimension_semantics<subcore_parallel>], iteration_bounds = array<i64: 2, 16>, scalar_prefetch = 0 : i64, scratch_operands = 7 : i64, tpu.core_type = #tpu.core_type<sc_vector_subcore>, window_params = [{transform_indices = #map}, {transform_indices = #map1}, {transform_indices = #map}]} {
    %mul3A = arith.constant 2 : i32
    %mul3A_0 = arith.muli %arg1, %mul3A : i32
    %add3A = arith.addi %mul3A_0, %arg0 : i32
    %mul3A_1 = arith.constant 12800 : i32
    %mul3A_2 = arith.muli %add3A, %mul3A_1 : i32
    "tpu.region"() ({
      %run_scoped3A = tpu.sem_alloc : memref<!tpu.dma_semaphore, #tpu.memory_space<semaphore_mem>>
      %dma_start3A_49 = tpu.memref_slice %arg3[%mul3A_2] : memref<409600xi32, #tpu.memory_space<hbm>> -> memref<12800xi32, #tpu.memory_space<hbm>>
      %dma_start3A_50 = tpu.memref_slice %arg3[%mul3A_2] : memref<409600xi32, #tpu.memory_space<hbm>> -> memref<12800xi32, #tpu.memory_space<hbm>>
      tpu.enqueue_dma source(%dma_start3A_50 : memref<12800xi32, #tpu.memory_space<hbm>>) target(%arg5 : memref<12800xi32, #tpu.memory_space<vmem>>) target_semaphore(%run_scoped3A : memref<!tpu.dma_semaphore, #tpu.memory_space<semaphore_mem>>)
      %dma_wait3A_51 = tpu.memref_slice %arg3[%mul3A_2] : memref<409600xi32, #tpu.memory_space<hbm>> -> memref<12800xi32, #tpu.memory_space<hbm>>
      %dma_wait3A_52 = tpu.memref_slice %arg3[%mul3A_2] : memref<409600xi32, #tpu.memory_space<hbm>> -> memref<12800xi32, #tpu.memory_space<hbm>>
      tpu.wait_dma2 semaphore(%run_scoped3A : memref<!tpu.dma_semaphore, #tpu.memory_space<semaphore_mem>>) src(%dma_wait3A_52 : memref<12800xi32, #tpu.memory_space<hbm>>) dst(%arg5 : memref<12800xi32, #tpu.memory_space<vmem>>)
      tpu.yield
    }) : () -> ()
    %dma_start3A = arith.constant 0 : i32
    %dma_start3A_3 = tpu.memref_slice %arg5[%dma_start3A] : memref<12800xi32, #tpu.memory_space<vmem>> -> memref<256xi32, #tpu.memory_space<vmem>>
    %dma_start3A_4 = arith.constant 0 : i32
    %dma_start3A_5 = arith.constant 0 : i32
    %dma_start3A_6 = tpu.memref_slice %arg2[%dma_start3A_4, %dma_start3A_5] : memref<110112x128xf32, #tpu.memory_space<hbm>> -> memref<110112x128xf32, #tpu.memory_space<hbm>>
    tpu.enqueue_indirect_dma source(%dma_start3A_6 : memref<110112x128xf32, #tpu.memory_space<hbm>>) target(%arg6 : memref<256x128xf32, #tpu.memory_space<vmem>>) offsets(%dma_start3A_3 : memref<256xi32, #tpu.memory_space<vmem>>) semaphore(%arg8 : memref<!tpu.dma_semaphore, #tpu.memory_space<semaphore_mem>>)
    %dma_start3A_7 = arith.constant 256 : i32
    %dma_start3A_8 = tpu.memref_slice %arg5[%dma_start3A_7] : memref<12800xi32, #tpu.memory_space<vmem>> -> memref<256xi32, #tpu.memory_space<vmem>>
    %dma_start3A_9 = arith.constant 0 : i32
    %dma_start3A_10 = arith.constant 0 : i32
    %dma_start3A_11 = tpu.memref_slice %arg2[%dma_start3A_9, %dma_start3A_10] : memref<110112x128xf32, #tpu.memory_space<hbm>> -> memref<110112x128xf32, #tpu.memory_space<hbm>>
    tpu.enqueue_indirect_dma source(%dma_start3A_11 : memref<110112x128xf32, #tpu.memory_space<hbm>>) target(%arg7 : memref<256x128xf32, #tpu.memory_space<vmem>>) offsets(%dma_start3A_8 : memref<256xi32, #tpu.memory_space<vmem>>) semaphore(%arg9 : memref<!tpu.dma_semaphore, #tpu.memory_space<semaphore_mem>>)
    %scan3A = arith.constant 0 : i32
    %scan3A_12 = arith.constant 24 : i32
    %scan3A_13 = arith.addi %scan3A, %scan3A_12 : i32
    %scan3A_14 = arith.constant 1 : i32
    scf.for %scan3A_49 = %scan3A to %scan3A_13 step %scan3A_14  : i32 {
      %mul3A_50 = arith.constant 1 : i32
      %mul3A_51 = arith.muli %scan3A_49, %mul3A_50 : i32
      %add3A_52 = arith.constant 0 : i32
      %add3A_53 = arith.addi %add3A_52, %mul3A_51 : i32
      %mul3A_54 = arith.constant 2 : i32
      %mul3A_55 = arith.muli %mul3A_54, %add3A_53 : i32
      %mul3A_56 = arith.constant 256 : i32
      %mul3A_57 = arith.muli %mul3A_55, %mul3A_56 : i32
      %dma_wait3A_58 = tpu.memref_slice %arg5[%mul3A_57] : memref<12800xi32, #tpu.memory_space<vmem>> -> memref<256xi32, #tpu.memory_space<vmem>>
      %dma_wait3A_59 = arith.constant 0 : i32
      %dma_wait3A_60 = arith.constant 0 : i32
      %dma_wait3A_61 = tpu.memref_slice %arg2[%dma_wait3A_59, %dma_wait3A_60] : memref<110112x128xf32, #tpu.memory_space<hbm>> -> memref<110112x128xf32, #tpu.memory_space<hbm>>
      tpu.wait_indirect_dma semaphore(%arg8 : memref<!tpu.dma_semaphore, #tpu.memory_space<semaphore_mem>>) src(%dma_wait3A_61 : memref<110112x128xf32, #tpu.memory_space<hbm>>) dst(%arg6 : memref<256x128xf32, #tpu.memory_space<vmem>>)
      %mul3A_62 = arith.constant 256 : i32
      %mul3A_63 = arith.muli %mul3A_55, %mul3A_62 : i32
      %add3A_64 = arith.addi %mul3A_2, %mul3A_63 : i32
      %dma_start3A_65 = arith.constant 0 : i32
      %dma_start3A_66 = tpu.memref_slice %arg4[%add3A_64, %dma_start3A_65] : memref<409600x128xf32, #tpu.memory_space<hbm>> -> memref<256x128xf32, #tpu.memory_space<hbm>>
      %dma_start3A_67 = arith.constant 0 : i32
      %dma_start3A_68 = tpu.memref_slice %arg4[%add3A_64, %dma_start3A_67] : memref<409600x128xf32, #tpu.memory_space<hbm>> -> memref<256x128xf32, #tpu.memory_space<hbm>>
      tpu.enqueue_dma source(%arg6 : memref<256x128xf32, #tpu.memory_space<vmem>>) target(%dma_start3A_68 : memref<256x128xf32, #tpu.memory_space<hbm>>) target_semaphore(%arg10 : memref<!tpu.dma_semaphore, #tpu.memory_space<semaphore_mem>>)
      %add3A_69 = arith.constant 1 : i32
      %add3A_70 = arith.addi %mul3A_55, %add3A_69 : i32
      %mul3A_71 = arith.constant 256 : i32
      %mul3A_72 = arith.muli %add3A_70, %mul3A_71 : i32
      %dma_wait3A_73 = tpu.memref_slice %arg5[%mul3A_72] : memref<12800xi32, #tpu.memory_space<vmem>> -> memref<256xi32, #tpu.memory_space<vmem>>
      %dma_wait3A_74 = arith.constant 0 : i32
      %dma_wait3A_75 = arith.constant 0 : i32
      %dma_wait3A_76 = tpu.memref_slice %arg2[%dma_wait3A_74, %dma_wait3A_75] : memref<110112x128xf32, #tpu.memory_space<hbm>> -> memref<110112x128xf32, #tpu.memory_space<hbm>>
      tpu.wait_indirect_dma semaphore(%arg9 : memref<!tpu.dma_semaphore, #tpu.memory_space<semaphore_mem>>) src(%dma_wait3A_76 : memref<110112x128xf32, #tpu.memory_space<hbm>>) dst(%arg7 : memref<256x128xf32, #tpu.memory_space<vmem>>)
      %add3A_77 = arith.constant 1 : i32
      %add3A_78 = arith.addi %mul3A_55, %add3A_77 : i32
      %mul3A_79 = arith.constant 256 : i32
      %mul3A_80 = arith.muli %add3A_78, %mul3A_79 : i32
      %add3A_81 = arith.addi %mul3A_2, %mul3A_80 : i32
      %dma_start3A_82 = arith.constant 0 : i32
      %dma_start3A_83 = tpu.memref_slice %arg4[%add3A_81, %dma_start3A_82] : memref<409600x128xf32, #tpu.memory_space<hbm>> -> memref<256x128xf32, #tpu.memory_space<hbm>>
      %dma_start3A_84 = arith.constant 0 : i32
      %dma_start3A_85 = tpu.memref_slice %arg4[%add3A_81, %dma_start3A_84] : memref<409600x128xf32, #tpu.memory_space<hbm>> -> memref<256x128xf32, #tpu.memory_space<hbm>>
      tpu.enqueue_dma source(%arg7 : memref<256x128xf32, #tpu.memory_space<vmem>>) target(%dma_start3A_85 : memref<256x128xf32, #tpu.memory_space<hbm>>) target_semaphore(%arg11 : memref<!tpu.dma_semaphore, #tpu.memory_space<semaphore_mem>>)
      %mul3A_86 = arith.constant 256 : i32
      %mul3A_87 = arith.muli %mul3A_55, %mul3A_86 : i32
      %add3A_88 = arith.addi %mul3A_2, %mul3A_87 : i32
      %dma_wait3A_89 = arith.constant 0 : i32
      %dma_wait3A_90 = tpu.memref_slice %arg4[%add3A_88, %dma_wait3A_89] : memref<409600x128xf32, #tpu.memory_space<hbm>> -> memref<256x128xf32, #tpu.memory_space<hbm>>
      %dma_wait3A_91 = arith.constant 0 : i32
      %dma_wait3A_92 = tpu.memref_slice %arg4[%add3A_88, %dma_wait3A_91] : memref<409600x128xf32, #tpu.memory_space<hbm>> -> memref<256x128xf32, #tpu.memory_space<hbm>>
      tpu.wait_dma2 semaphore(%arg10 : memref<!tpu.dma_semaphore, #tpu.memory_space<semaphore_mem>>) src(%arg6 : memref<256x128xf32, #tpu.memory_space<vmem>>) dst(%dma_wait3A_92 : memref<256x128xf32, #tpu.memory_space<hbm>>)
      %add3A_93 = arith.constant 2 : i32
      %add3A_94 = arith.addi %mul3A_55, %add3A_93 : i32
      %mul3A_95 = arith.constant 256 : i32
      %mul3A_96 = arith.muli %add3A_94, %mul3A_95 : i32
      %dma_start3A_97 = tpu.memref_slice %arg5[%mul3A_96] : memref<12800xi32, #tpu.memory_space<vmem>> -> memref<256xi32, #tpu.memory_space<vmem>>
      %dma_start3A_98 = arith.constant 0 : i32
      %dma_start3A_99 = arith.constant 0 : i32
      %dma_start3A_100 = tpu.memref_slice %arg2[%dma_start3A_98, %dma_start3A_99] : memref<110112x128xf32, #tpu.memory_space<hbm>> -> memref<110112x128xf32, #tpu.memory_space<hbm>>
      tpu.enqueue_indirect_dma source(%dma_start3A_100 : memref<110112x128xf32, #tpu.memory_space<hbm>>) target(%arg6 : memref<256x128xf32, #tpu.memory_space<vmem>>) offsets(%dma_start3A_97 : memref<256xi32, #tpu.memory_space<vmem>>) semaphore(%arg8 : memref<!tpu.dma_semaphore, #tpu.memory_space<semaphore_mem>>)
      %add3A_101 = arith.constant 1 : i32
      %add3A_102 = arith.addi %mul3A_55, %add3A_101 : i32
      %mul3A_103 = arith.constant 256 : i32
      %mul3A_104 = arith.muli %add3A_102, %mul3A_103 : i32
      %add3A_105 = arith.addi %mul3A_2, %mul3A_104 : i32
      %dma_wait3A_106 = arith.constant 0 : i32
      %dma_wait3A_107 = tpu.memref_slice %arg4[%add3A_105, %dma_wait3A_106] : memref<409600x128xf32, #tpu.memory_space<hbm>> -> memref<256x128xf32, #tpu.memory_space<hbm>>
      %dma_wait3A_108 = arith.constant 0 : i32
      %dma_wait3A_109 = tpu.memref_slice %arg4[%add3A_105, %dma_wait3A_108] : memref<409600x128xf32, #tpu.memory_space<hbm>> -> memref<256x128xf32, #tpu.memory_space<hbm>>
      tpu.wait_dma2 semaphore(%arg11 : memref<!tpu.dma_semaphore, #tpu.memory_space<semaphore_mem>>) src(%arg7 : memref<256x128xf32, #tpu.memory_space<vmem>>) dst(%dma_wait3A_109 : memref<256x128xf32, #tpu.memory_space<hbm>>)
      %add3A_110 = arith.constant 3 : i32
      %add3A_111 = arith.addi %mul3A_55, %add3A_110 : i32
      %mul3A_112 = arith.constant 256 : i32
      %mul3A_113 = arith.muli %add3A_111, %mul3A_112 : i32
      %dma_start3A_114 = tpu.memref_slice %arg5[%mul3A_113] : memref<12800xi32, #tpu.memory_space<vmem>> -> memref<256xi32, #tpu.memory_space<vmem>>
      %dma_start3A_115 = arith.constant 0 : i32
      %dma_start3A_116 = arith.constant 0 : i32
      %dma_start3A_117 = tpu.memref_slice %arg2[%dma_start3A_115, %dma_start3A_116] : memref<110112x128xf32, #tpu.memory_space<hbm>> -> memref<110112x128xf32, #tpu.memory_space<hbm>>
      tpu.enqueue_indirect_dma source(%dma_start3A_117 : memref<110112x128xf32, #tpu.memory_space<hbm>>) target(%arg7 : memref<256x128xf32, #tpu.memory_space<vmem>>) offsets(%dma_start3A_114 : memref<256xi32, #tpu.memory_space<vmem>>) semaphore(%arg9 : memref<!tpu.dma_semaphore, #tpu.memory_space<semaphore_mem>>)
    }
    %scan3A_15 = arith.constant 24 : i32
    %dma_wait3A = arith.constant 12288 : i32
    %dma_wait3A_16 = tpu.memref_slice %arg5[%dma_wait3A] : memref<12800xi32, #tpu.memory_space<vmem>> -> memref<256xi32, #tpu.memory_space<vmem>>
    %dma_wait3A_17 = arith.constant 0 : i32
    %dma_wait3A_18 = arith.constant 0 : i32
    %dma_wait3A_19 = tpu.memref_slice %arg2[%dma_wait3A_17, %dma_wait3A_18] : memref<110112x128xf32, #tpu.memory_space<hbm>> -> memref<110112x128xf32, #tpu.memory_space<hbm>>
    tpu.wait_indirect_dma semaphore(%arg8 : memref<!tpu.dma_semaphore, #tpu.memory_space<semaphore_mem>>) src(%dma_wait3A_19 : memref<110112x128xf32, #tpu.memory_space<hbm>>) dst(%arg6 : memref<256x128xf32, #tpu.memory_space<vmem>>)
    %add3A_20 = arith.constant 12288 : i32
    %add3A_21 = arith.addi %mul3A_2, %add3A_20 : i32
    %dma_start3A_22 = arith.constant 0 : i32
    %dma_start3A_23 = tpu.memref_slice %arg4[%add3A_21, %dma_start3A_22] : memref<409600x128xf32, #tpu.memory_space<hbm>> -> memref<256x128xf32, #tpu.memory_space<hbm>>
    %dma_start3A_24 = arith.constant 0 : i32
    %dma_start3A_25 = tpu.memref_slice %arg4[%add3A_21, %dma_start3A_24] : memref<409600x128xf32, #tpu.memory_space<hbm>> -> memref<256x128xf32, #tpu.memory_space<hbm>>
    tpu.enqueue_dma source(%arg6 : memref<256x128xf32, #tpu.memory_space<vmem>>) target(%dma_start3A_25 : memref<256x128xf32, #tpu.memory_space<hbm>>) target_semaphore(%arg10 : memref<!tpu.dma_semaphore, #tpu.memory_space<semaphore_mem>>)
    %dma_wait3A_26 = arith.constant 12544 : i32
    %dma_wait3A_27 = tpu.memref_slice %arg5[%dma_wait3A_26] : memref<12800xi32, #tpu.memory_space<vmem>> -> memref<256xi32, #tpu.memory_space<vmem>>
    %dma_wait3A_28 = arith.constant 0 : i32
    %dma_wait3A_29 = arith.constant 0 : i32
    %dma_wait3A_30 = tpu.memref_slice %arg2[%dma_wait3A_28, %dma_wait3A_29] : memref<110112x128xf32, #tpu.memory_space<hbm>> -> memref<110112x128xf32, #tpu.memory_space<hbm>>
    tpu.wait_indirect_dma semaphore(%arg9 : memref<!tpu.dma_semaphore, #tpu.memory_space<semaphore_mem>>) src(%dma_wait3A_30 : memref<110112x128xf32, #tpu.memory_space<hbm>>) dst(%arg7 : memref<256x128xf32, #tpu.memory_space<vmem>>)
    %add3A_31 = arith.constant 12544 : i32
    %add3A_32 = arith.addi %mul3A_2, %add3A_31 : i32
    %dma_start3A_33 = arith.constant 0 : i32
    %dma_start3A_34 = tpu.memref_slice %arg4[%add3A_32, %dma_start3A_33] : memref<409600x128xf32, #tpu.memory_space<hbm>> -> memref<256x128xf32, #tpu.memory_space<hbm>>
    %dma_start3A_35 = arith.constant 0 : i32
    %dma_start3A_36 = tpu.memref_slice %arg4[%add3A_32, %dma_start3A_35] : memref<409600x128xf32, #tpu.memory_space<hbm>> -> memref<256x128xf32, #tpu.memory_space<hbm>>
    tpu.enqueue_dma source(%arg7 : memref<256x128xf32, #tpu.memory_space<vmem>>) target(%dma_start3A_36 : memref<256x128xf32, #tpu.memory_space<hbm>>) target_semaphore(%arg11 : memref<!tpu.dma_semaphore, #tpu.memory_space<semaphore_mem>>)
    %add3A_37 = arith.constant 12288 : i32
    %add3A_38 = arith.addi %mul3A_2, %add3A_37 : i32
    %dma_wait3A_39 = arith.constant 0 : i32
    %dma_wait3A_40 = tpu.memref_slice %arg4[%add3A_38, %dma_wait3A_39] : memref<409600x128xf32, #tpu.memory_space<hbm>> -> memref<256x128xf32, #tpu.memory_space<hbm>>
    %dma_wait3A_41 = arith.constant 0 : i32
    %dma_wait3A_42 = tpu.memref_slice %arg4[%add3A_38, %dma_wait3A_41] : memref<409600x128xf32, #tpu.memory_space<hbm>> -> memref<256x128xf32, #tpu.memory_space<hbm>>
    tpu.wait_dma2 semaphore(%arg10 : memref<!tpu.dma_semaphore, #tpu.memory_space<semaphore_mem>>) src(%arg6 : memref<256x128xf32, #tpu.memory_space<vmem>>) dst(%dma_wait3A_42 : memref<256x128xf32, #tpu.memory_space<hbm>>)
    %add3A_43 = arith.constant 12544 : i32
    %add3A_44 = arith.addi %mul3A_2, %add3A_43 : i32
    %dma_wait3A_45 = arith.constant 0 : i32
    %dma_wait3A_46 = tpu.memref_slice %arg4[%add3A_44, %dma_wait3A_45] : memref<409600x128xf32, #tpu.memory_space<hbm>> -> memref<256x128xf32, #tpu.memory_space<hbm>>
    %dma_wait3A_47 = arith.constant 0 : i32
    %dma_wait3A_48 = tpu.memref_slice %arg4[%add3A_44, %dma_wait3A_47] : memref<409600x128xf32, #tpu.memory_space<hbm>> -> memref<256x128xf32, #tpu.memory_space<hbm>>
    tpu.wait_dma2 semaphore(%arg11 : memref<!tpu.dma_semaphore, #tpu.memory_space<semaphore_mem>>) src(%arg7 : memref<256x128xf32, #tpu.memory_space<vmem>>) dst(%dma_wait3A_48 : memref<256x128xf32, #tpu.memory_space<hbm>>)
    return
  }
}

module attributes {stable_mosaic.version = 14 : i64} {
  func.func @_idx_body(%arg0: memref<1024x200xi32, #tpu.memory_space<vmem>>, %arg1: memref<1024x200xi32, #tpu.memory_space<vmem>>, %arg2: memref<1024x200xi32, #tpu.memory_space<vmem>>, %arg3: memref<1024x200xi32, #tpu.memory_space<vmem>>) attributes {dimension_semantics = [], scalar_prefetch = 0 : i64, scratch_operands = 0 : i64, tpu.core_type = #tpu.core_type<tc>} {
    %get3A = arith.constant 0 : index
    %get3A_0 = arith.constant 0 : index
    %get3A_1 = vector.load %arg0[%get3A, %get3A_0] : memref<1024x200xi32, #tpu.memory_space<vmem>>, vector<1024x200xi32>
    %get3A_2 = arith.constant 0 : index
    %get3A_3 = arith.constant 0 : index
    %get3A_4 = vector.load %arg1[%get3A_2, %get3A_3] : memref<1024x200xi32, #tpu.memory_space<vmem>>, vector<1024x200xi32>
    %slice3A = vector.extract_strided_slice %get3A_1 {offsets = [0, 0], sizes = [1024, 1], strides = [1, 1]} : vector<1024x200xi32> to vector<1024x1xi32>
    %sub3A = vector.broadcast %slice3A : vector<1024x1xi32> to vector<1024x200xi32>
    %sub3A_5 = arith.subi %get3A_1, %sub3A : vector<1024x200xi32>
    %slice3A_6 = vector.extract_strided_slice %get3A_4 {offsets = [0, 0], sizes = [1024, 1], strides = [1, 1]} : vector<1024x200xi32> to vector<1024x1xi32>
    %sub3A_7 = vector.broadcast %slice3A_6 : vector<1024x1xi32> to vector<1024x200xi32>
    %sub3A_8 = arith.subi %get3A_4, %sub3A_7 : vector<1024x200xi32>
    %iota3A = tpu.iota {dimensions = array<i32: 0>} : vector<1024x1xi32>
    %jit3A = arith.constant 1024 : i32
    %eq3A = arith.constant 0 : i32
    %eq3A_9 = arith.cmpi eq, %jit3A, %eq3A : i32
    %jit3A_10 = arith.constant 1 : i32
    %select_n3A = arith.select %eq3A_9, %jit3A_10, %jit3A : i32
    %rem3A = vector.broadcast %select_n3A : i32 to vector<1024x1xi32>
    %rem3A_11 = arith.remsi %iota3A, %rem3A : vector<1024x1xi32>
    %ne3A = arith.constant 0 : i32
    %ne3A_12 = vector.broadcast %ne3A : i32 to vector<1024x1xi32>
    %ne3A_13 = arith.cmpi ne, %rem3A_11, %ne3A_12 : vector<1024x1xi32>
    %lt3A = arith.constant 0 : i32
    %lt3A_14 = vector.broadcast %lt3A : i32 to vector<1024x1xi32>
    %lt3A_15 = arith.cmpi slt, %rem3A_11, %lt3A_14 : vector<1024x1xi32>
    %lt3A_16 = arith.constant 0 : i32
    %lt3A_17 = arith.cmpi slt, %select_n3A, %lt3A_16 : i32
    %ne3A_18 = vector.broadcast %lt3A_17 : i1 to vector<1024x1xi1>
    %ne3A_19 = vector.broadcast %ne3A_18 : vector<1024x1xi1> to vector<1024x1xi1>
    %ne3A_20 = arith.xori %lt3A_15, %ne3A_19 : vector<1024x1xi1>
    %and3A = arith.andi %ne3A_20, %ne3A_13 : vector<1024x1xi1>
    %add3A = vector.broadcast %select_n3A : i32 to vector<1024x1xi32>
    %add3A_21 = arith.addi %rem3A_11, %add3A : vector<1024x1xi32>
    %select_n3A_22 = arith.select %and3A, %add3A_21, %rem3A_11 : vector<1024x1xi1>, vector<1024x1xi32>
    %jit3A_23 = arith.constant 64 : i32
    %div3A = vector.broadcast %jit3A_23 : i32 to vector<1024x1xi32>
    %div3A_24 = arith.divsi %select_n3A_22, %div3A : vector<1024x1xi32>
    %sign3A = arith.constant 0 : i32
    %sign3A_25 = vector.broadcast %sign3A : i32 to vector<1024x1xi32>
    %sign3A_26 = arith.cmpi sgt, %select_n3A_22, %sign3A_25 : vector<1024x1xi32>
    %sign3A_27 = arith.extui %sign3A_26 : vector<1024x1xi1> to vector<1024x1xi32>
    %sign3A_28 = arith.constant 0 : i32
    %sign3A_29 = vector.broadcast %sign3A_28 : i32 to vector<1024x1xi32>
    %sign3A_30 = arith.cmpi slt, %select_n3A_22, %sign3A_29 : vector<1024x1xi32>
    %sign3A_31 = arith.extui %sign3A_30 : vector<1024x1xi1> to vector<1024x1xi32>
    %sign3A_32 = arith.subi %sign3A_27, %sign3A_31 : vector<1024x1xi32>
    %sign3A_33 = arith.constant 0 : i32
    %sign3A_34 = arith.cmpi sgt, %jit3A_23, %sign3A_33 : i32
    %sign3A_35 = arith.extui %sign3A_34 : i1 to i32
    %sign3A_36 = arith.constant 0 : i32
    %sign3A_37 = arith.cmpi slt, %jit3A_23, %sign3A_36 : i32
    %sign3A_38 = arith.extui %sign3A_37 : i1 to i32
    %sign3A_39 = arith.subi %sign3A_35, %sign3A_38 : i32
    %ne3A_40 = vector.broadcast %sign3A_39 : i32 to vector<1024x1xi32>
    %ne3A_41 = arith.cmpi ne, %sign3A_32, %ne3A_40 : vector<1024x1xi32>
    %rem3A_42 = vector.broadcast %jit3A_23 : i32 to vector<1024x1xi32>
    %rem3A_43 = arith.remsi %select_n3A_22, %rem3A_42 : vector<1024x1xi32>
    %ne3A_44 = arith.constant 0 : i32
    %ne3A_45 = vector.broadcast %ne3A_44 : i32 to vector<1024x1xi32>
    %ne3A_46 = arith.cmpi ne, %rem3A_43, %ne3A_45 : vector<1024x1xi32>
    %and3A_47 = arith.andi %ne3A_41, %ne3A_46 : vector<1024x1xi1>
    %sub3A_48 = arith.constant 1 : i32
    %sub3A_49 = vector.broadcast %sub3A_48 : i32 to vector<1024x1xi32>
    %sub3A_50 = arith.subi %div3A_24, %sub3A_49 : vector<1024x1xi32>
    %select_n3A_51 = arith.select %and3A_47, %sub3A_50, %div3A_24 : vector<1024x1xi1>, vector<1024x1xi32>
    %mul3A = arith.constant 6882 : i32
    %mul3A_52 = vector.broadcast %mul3A : i32 to vector<1024x1xi32>
    %mul3A_53 = arith.muli %select_n3A_51, %mul3A_52 : vector<1024x1xi32>
    %jit3A_54 = arith.constant -2000 : i32
    %jit3A_55 = arith.constant 2000 : i32
    %max3A = vector.broadcast %jit3A_54 : i32 to vector<1024x200xi32>
    %max3A_56 = arith.maxsi %max3A, %sub3A_5 : vector<1024x200xi32>
    %min3A = vector.broadcast %jit3A_55 : i32 to vector<1024x200xi32>
    %min3A_57 = arith.minsi %min3A, %max3A_56 : vector<1024x200xi32>
    %add3A_58 = vector.broadcast %mul3A_53 : vector<1024x1xi32> to vector<1024x200xi32>
    %add3A_59 = arith.addi %add3A_58, %min3A_57 : vector<1024x200xi32>
    %add3A_60 = arith.constant 2000 : i32
    %add3A_61 = vector.broadcast %add3A_60 : i32 to vector<1024x200xi32>
    %add3A_62 = arith.addi %add3A_59, %add3A_61 : vector<1024x200xi32>
    %swap3A = arith.constant 0 : index
    %swap3A_63 = arith.constant 0 : index
    %swap3A_64 = vector.load %arg2[%swap3A, %swap3A_63] : memref<1024x200xi32, #tpu.memory_space<vmem>>, vector<1024x200xi32>
    tpu.vector_store %arg2[%swap3A, %swap3A_63], %add3A_62 {strides = array<i32>} : memref<1024x200xi32, #tpu.memory_space<vmem>>, vector<1024x200xi32>,
    %add3A_65 = arith.constant 4001 : i32
    %add3A_66 = vector.broadcast %add3A_65 : i32 to vector<1024x1xi32>
    %add3A_67 = arith.addi %mul3A_53, %add3A_66 : vector<1024x1xi32>
    %jit3A_68 = arith.constant 5 : i32
    %div3A_69 = vector.broadcast %jit3A_68 : i32 to vector<1024x200xi32>
    %div3A_70 = arith.divsi %sub3A_8, %div3A_69 : vector<1024x200xi32>
    %sign3A_71 = arith.constant 0 : i32
    %sign3A_72 = vector.broadcast %sign3A_71 : i32 to vector<1024x200xi32>
    %sign3A_73 = arith.cmpi sgt, %sub3A_8, %sign3A_72 : vector<1024x200xi32>
    %sign3A_74 = arith.extui %sign3A_73 : vector<1024x200xi1> to vector<1024x200xi32>
    %sign3A_75 = arith.constant 0 : i32
    %sign3A_76 = vector.broadcast %sign3A_75 : i32 to vector<1024x200xi32>
    %sign3A_77 = arith.cmpi slt, %sub3A_8, %sign3A_76 : vector<1024x200xi32>
    %sign3A_78 = arith.extui %sign3A_77 : vector<1024x200xi1> to vector<1024x200xi32>
    %sign3A_79 = arith.subi %sign3A_74, %sign3A_78 : vector<1024x200xi32>
    %sign3A_80 = arith.constant 0 : i32
    %sign3A_81 = arith.cmpi sgt, %jit3A_68, %sign3A_80 : i32
    %sign3A_82 = arith.extui %sign3A_81 : i1 to i32
    %sign3A_83 = arith.constant 0 : i32
    %sign3A_84 = arith.cmpi slt, %jit3A_68, %sign3A_83 : i32
    %sign3A_85 = arith.extui %sign3A_84 : i1 to i32
    %sign3A_86 = arith.subi %sign3A_82, %sign3A_85 : i32
    %ne3A_87 = vector.broadcast %sign3A_86 : i32 to vector<1024x200xi32>
    %ne3A_88 = arith.cmpi ne, %sign3A_79, %ne3A_87 : vector<1024x200xi32>
    %rem3A_89 = vector.broadcast %jit3A_68 : i32 to vector<1024x200xi32>
    %rem3A_90 = arith.remsi %sub3A_8, %rem3A_89 : vector<1024x200xi32>
    %ne3A_91 = arith.constant 0 : i32
    %ne3A_92 = vector.broadcast %ne3A_91 : i32 to vector<1024x200xi32>
    %ne3A_93 = arith.cmpi ne, %rem3A_90, %ne3A_92 : vector<1024x200xi32>
    %and3A_94 = arith.andi %ne3A_88, %ne3A_93 : vector<1024x200xi1>
    %sub3A_95 = arith.constant 1 : i32
    %sub3A_96 = vector.broadcast %sub3A_95 : i32 to vector<1024x200xi32>
    %sub3A_97 = arith.subi %div3A_70, %sub3A_96 : vector<1024x200xi32>
    %select_n3A_98 = arith.select %and3A_94, %sub3A_97, %div3A_70 : vector<1024x200xi1>, vector<1024x200xi32>
    %add3A_99 = vector.broadcast %add3A_67 : vector<1024x1xi32> to vector<1024x200xi32>
    %add3A_100 = arith.addi %add3A_99, %select_n3A_98 : vector<1024x200xi32>
    %swap3A_101 = arith.constant 0 : index
    %swap3A_102 = arith.constant 0 : index
    %swap3A_103 = vector.load %arg3[%swap3A_101, %swap3A_102] : memref<1024x200xi32, #tpu.memory_space<vmem>>, vector<1024x200xi32>
    tpu.vector_store %arg3[%swap3A_101, %swap3A_102], %add3A_100 {strides = array<i32>} : memref<1024x200xi32, #tpu.memory_space<vmem>>, vector<1024x200xi32>,
    return
  }
}

module attributes {stable_mosaic.version = 14 : i64} {
  func.func @_combine_body(%arg0: i32, %arg1: memref<1024x1xi32, #tpu.memory_space<vmem>>, %arg2: memref<1024x10xf32, #tpu.memory_space<vmem>>, %arg3: memref<1024x128xf32, #tpu.memory_space<vmem>>, %arg4: memref<1024x128xf32, #tpu.memory_space<vmem>>, %arg5: memref<320x128xf32, #tpu.memory_space<vmem>>, %arg6: memref<3x128xf32, #tpu.memory_space<vmem>>, %arg7: memref<10x128xf32, #tpu.memory_space<vmem>>, %arg8: memref<1x128xf32, #tpu.memory_space<vmem>>, %arg9: memref<1x128xf32, #tpu.memory_space<vmem>>, %arg10: memref<1x128xf32, #tpu.memory_space<vmem>>, %arg11: memref<1024x128xf32, #tpu.memory_space<vmem>>) attributes {dimension_semantics = [#tpu.dimension_semantics<parallel>], iteration_bounds = array<i64: 200>, scalar_prefetch = 0 : i64, scratch_operands = 0 : i64, tpu.core_type = #tpu.core_type<tc>, window_params = [{transform_indices = @transform_0, window_bounds = array<i64: 1024, 1>}, {transform_indices = @transform_1, window_bounds = array<i64: 1024, 10>}, {transform_indices = @transform_2, window_bounds = array<i64: 1024, 128>}, {transform_indices = @transform_3, window_bounds = array<i64: 1024, 128>}, {pipeline_mode = #tpu.pipeline_mode<synchronous>, transform_indices = @transform_4, window_bounds = array<i64: 320, 128>}, {pipeline_mode = #tpu.pipeline_mode<synchronous>, transform_indices = @transform_5, window_bounds = array<i64: 3, 128>}, {pipeline_mode = #tpu.pipeline_mode<synchronous>, transform_indices = @transform_6, window_bounds = array<i64: 10, 128>}, {pipeline_mode = #tpu.pipeline_mode<synchronous>, transform_indices = @transform_7, window_bounds = array<i64: 1, 128>}, {pipeline_mode = #tpu.pipeline_mode<synchronous>, transform_indices = @transform_8, window_bounds = array<i64: 1, 128>}, {pipeline_mode = #tpu.pipeline_mode<synchronous>, transform_indices = @transform_9, window_bounds = array<i64: 1, 128>}, {transform_indices = @transform_10, window_bounds = array<i64: 1024, 128>}]} {
    %get3A = arith.constant 0 : index
    %get3A_0 = arith.constant 0 : index
    %get3A_1 = vector.load %arg1[%get3A, %get3A_0] : memref<1024x1xi32, #tpu.memory_space<vmem>>, vector<1024x1xi32>
    %shift_right_arithmetic3A = arith.constant 13 : i32
    %shift_right_arithmetic3A_2 = vector.broadcast %shift_right_arithmetic3A : i32 to vector<1024x1xi32>
    %shift_right_arithmetic3A_3 = arith.shrsi %get3A_1, %shift_right_arithmetic3A_2 : vector<1024x1xi32>
    %and3A = arith.constant 127 : i32
    %and3A_4 = vector.broadcast %and3A : i32 to vector<1024x1xi32>
    %and3A_5 = arith.andi %shift_right_arithmetic3A_3, %and3A_4 : vector<1024x1xi32>
    %shift_right_arithmetic3A_6 = arith.constant 6 : i32
    %shift_right_arithmetic3A_7 = vector.broadcast %shift_right_arithmetic3A_6 : i32 to vector<1024x1xi32>
    %shift_right_arithmetic3A_8 = arith.shrsi %get3A_1, %shift_right_arithmetic3A_7 : vector<1024x1xi32>
    %and3A_9 = arith.constant 127 : i32
    %and3A_10 = vector.broadcast %and3A_9 : i32 to vector<1024x1xi32>
    %and3A_11 = arith.andi %shift_right_arithmetic3A_8, %and3A_10 : vector<1024x1xi32>
    %and3A_12 = arith.constant 63 : i32
    %and3A_13 = vector.broadcast %and3A_12 : i32 to vector<1024x1xi32>
    %and3A_14 = arith.andi %get3A_1, %and3A_13 : vector<1024x1xi32>
    %iota3A = tpu.iota {dimensions = array<i32: 1>} : vector<1x320xi32>
    %eq3A = vector.broadcast %iota3A : vector<1x320xi32> to vector<1024x320xi32>
    %eq3A_15 = vector.broadcast %and3A_5 : vector<1024x1xi32> to vector<1024x320xi32>
    %eq3A_16 = arith.cmpi eq, %eq3A, %eq3A_15 : vector<1024x320xi32>
    %add3A = arith.constant 128 : i32
    %add3A_17 = vector.broadcast %add3A : i32 to vector<1024x1xi32>
    %add3A_18 = arith.addi %add3A_17, %and3A_11 : vector<1024x1xi32>
    %eq3A_19 = vector.broadcast %iota3A : vector<1x320xi32> to vector<1024x320xi32>
    %eq3A_20 = vector.broadcast %add3A_18 : vector<1024x1xi32> to vector<1024x320xi32>
    %eq3A_21 = arith.cmpi eq, %eq3A_19, %eq3A_20 : vector<1024x320xi32>
    %or3A = arith.ori %eq3A_16, %eq3A_21 : vector<1024x320xi1>
    %add3A_22 = arith.constant 256 : i32
    %add3A_23 = vector.broadcast %add3A_22 : i32 to vector<1024x1xi32>
    %add3A_24 = arith.addi %add3A_23, %and3A_14 : vector<1024x1xi32>
    %eq3A_25 = vector.broadcast %iota3A : vector<1x320xi32> to vector<1024x320xi32>
    %eq3A_26 = vector.broadcast %add3A_24 : vector<1024x1xi32> to vector<1024x320xi32>
    %eq3A_27 = arith.cmpi eq, %eq3A_25, %eq3A_26 : vector<1024x320xi32>
    %or3A_28 = arith.ori %or3A, %eq3A_27 : vector<1024x320xi1>
    %convert_element_type3A = arith.extui %or3A_28 : vector<1024x320xi1> to vector<1024x320xi32>
    %convert_element_type3A_29 = arith.sitofp %convert_element_type3A : vector<1024x320xi32> to vector<1024x320xf32>
    %get3A_30 = arith.constant 0 : index
    %get3A_31 = arith.constant 0 : index
    %get3A_32 = vector.load %arg5[%get3A_30, %get3A_31] : memref<320x128xf32, #tpu.memory_space<vmem>>, vector<320x128xf32>
    %dot_general3A = arith.constant dense<0.000000e+00> : vector<1024x128xf32>
    %dot_general3A_33 = tpu.matmul %convert_element_type3A_29, %get3A_32, %dot_general3A {dimension_numbers = #tpu.dot_dimension_numbers<[1], [0], [0], [1], [0, 0, 1, 1], [], []>, transpose_lhs_hint = false} : vector<1024x320xf32>, vector<320x128xf32>, vector<1024x128xf32> -> vector<1024x128xf32>
    %shift_right_arithmetic3A_34 = arith.constant 20 : i32
    %shift_right_arithmetic3A_35 = vector.broadcast %shift_right_arithmetic3A_34 : i32 to vector<1024x1xi32>
    %shift_right_arithmetic3A_36 = arith.shrsi %get3A_1, %shift_right_arithmetic3A_35 : vector<1024x1xi32>
    %eq3A_37 = arith.constant 0 : i32
    %eq3A_38 = vector.broadcast %eq3A_37 : i32 to vector<1024x1xi32>
    %eq3A_39 = arith.cmpi eq, %shift_right_arithmetic3A_36, %eq3A_38 : vector<1024x1xi32>
    %get3A_40 = arith.constant 0 : index
    %get3A_41 = arith.constant 0 : index
    %get3A_42 = vector.load %arg6[%get3A_40, %get3A_41] : memref<3x128xf32, #tpu.memory_space<vmem>>, vector<1x128xf32>
    %eq3A_43 = arith.constant 1 : i32
    %eq3A_44 = vector.broadcast %eq3A_43 : i32 to vector<1024x1xi32>
    %eq3A_45 = arith.cmpi eq, %shift_right_arithmetic3A_36, %eq3A_44 : vector<1024x1xi32>
    %get3A_46 = arith.constant 1 : index
    %get3A_47 = arith.constant 0 : index
    %get3A_48 = vector.load %arg6[%get3A_46, %get3A_47] : memref<3x128xf32, #tpu.memory_space<vmem>>, vector<1x128xf32>
    %get3A_49 = arith.constant 2 : index
    %get3A_50 = arith.constant 0 : index
    %get3A_51 = vector.load %arg6[%get3A_49, %get3A_50] : memref<3x128xf32, #tpu.memory_space<vmem>>, vector<1x128xf32>
    %broadcast_in_dim3A = vector.shape_cast %eq3A_45 : vector<1024x1xi1> to vector<1024x1xi1>
    %broadcast_in_dim3A_52 = vector.broadcast %broadcast_in_dim3A : vector<1024x1xi1> to vector<1024x128xi1>
    %broadcast_in_dim3A_53 = vector.shape_cast %get3A_48 : vector<1x128xf32> to vector<1x128xf32>
    %broadcast_in_dim3A_54 = vector.broadcast %broadcast_in_dim3A_53 : vector<1x128xf32> to vector<1024x128xf32>
    %broadcast_in_dim3A_55 = vector.shape_cast %get3A_51 : vector<1x128xf32> to vector<1x128xf32>
    %broadcast_in_dim3A_56 = vector.broadcast %broadcast_in_dim3A_55 : vector<1x128xf32> to vector<1024x128xf32>
    %select_n3A = arith.select %broadcast_in_dim3A_52, %broadcast_in_dim3A_54, %broadcast_in_dim3A_56 : vector<1024x128xi1>, vector<1024x128xf32>
    %broadcast_in_dim3A_57 = vector.shape_cast %eq3A_39 : vector<1024x1xi1> to vector<1024x1xi1>
    %broadcast_in_dim3A_58 = vector.broadcast %broadcast_in_dim3A_57 : vector<1024x1xi1> to vector<1024x128xi1>
    %broadcast_in_dim3A_59 = vector.shape_cast %get3A_42 : vector<1x128xf32> to vector<1x128xf32>
    %broadcast_in_dim3A_60 = vector.broadcast %broadcast_in_dim3A_59 : vector<1x128xf32> to vector<1024x128xf32>
    %select_n3A_61 = arith.select %broadcast_in_dim3A_58, %broadcast_in_dim3A_60, %select_n3A : vector<1024x128xi1>, vector<1024x128xf32>
    %get3A_62 = arith.constant 0 : index
    %get3A_63 = arith.constant 0 : index
    %get3A_64 = vector.load %arg2[%get3A_62, %get3A_63] : memref<1024x10xf32, #tpu.memory_space<vmem>>, vector<1024x10xf32>
    %get3A_65 = arith.constant 0 : index
    %get3A_66 = arith.constant 0 : index
    %get3A_67 = vector.load %arg7[%get3A_65, %get3A_66] : memref<10x128xf32, #tpu.memory_space<vmem>>, vector<10x128xf32>
    %dot_general3A_68 = arith.constant dense<0.000000e+00> : vector<1024x128xf32>
    %dot_general3A_69 = tpu.matmul %get3A_64, %get3A_67, %dot_general3A_68 {dimension_numbers = #tpu.dot_dimension_numbers<[1], [0], [0], [1], [0, 0, 1, 1], [], []>, transpose_lhs_hint = false} : vector<1024x10xf32>, vector<10x128xf32>, vector<1024x128xf32> -> vector<1024x128xf32>
    %get3A_70 = arith.constant 0 : index
    %get3A_71 = arith.constant 0 : index
    %get3A_72 = vector.load %arg8[%get3A_70, %get3A_71] : memref<1x128xf32, #tpu.memory_space<vmem>>, vector<1x128xf32>
    %add3A_73 = vector.broadcast %get3A_72 : vector<1x128xf32> to vector<1024x128xf32>
    %add3A_74 = arith.addf %dot_general3A_69, %add3A_73 : vector<1024x128xf32>
    %reduce_sum3A = arith.constant dense<0.000000e+00> : vector<1024xf32>
    %reduce_sum3A_75 = vector.multi_reduction <add>, %add3A_74, %reduce_sum3A [1] : vector<1024x128xf32> to vector<1024xf32>
    %broadcast_in_dim3A_76 = vector.shape_cast %reduce_sum3A_75 : vector<1024xf32> to vector<1024x1xf32>
    %div3A = arith.constant 1.280000e+02 : f32
    %div3A_77 = vector.broadcast %div3A : f32 to vector<1024x1xf32>
    %div3A_78 = arith.divf %broadcast_in_dim3A_76, %div3A_77 : vector<1024x1xf32>
    %sub3A = vector.broadcast %div3A_78 : vector<1024x1xf32> to vector<1024x128xf32>
    %sub3A_79 = arith.subf %add3A_74, %sub3A : vector<1024x128xf32>
    %mul3A = arith.mulf %sub3A_79, %sub3A_79 : vector<1024x128xf32>
    %reduce_sum3A_80 = arith.constant dense<0.000000e+00> : vector<1024xf32>
    %reduce_sum3A_81 = vector.multi_reduction <add>, %mul3A, %reduce_sum3A_80 [1] : vector<1024x128xf32> to vector<1024xf32>
    %broadcast_in_dim3A_82 = vector.shape_cast %reduce_sum3A_81 : vector<1024xf32> to vector<1024x1xf32>
    %div3A_83 = arith.constant 1.280000e+02 : f32
    %div3A_84 = vector.broadcast %div3A_83 : f32 to vector<1024x1xf32>
    %div3A_85 = arith.divf %broadcast_in_dim3A_82, %div3A_84 : vector<1024x1xf32>
    %add3A_86 = arith.constant 9.99999974E-6 : f32
    %add3A_87 = vector.broadcast %add3A_86 : f32 to vector<1024x1xf32>
    %add3A_88 = arith.addf %div3A_85, %add3A_87 : vector<1024x1xf32>
    %sqrt3A = math.sqrt %add3A_88 : vector<1024x1xf32>
    %div3A_89 = vector.broadcast %sqrt3A : vector<1024x1xf32> to vector<1024x128xf32>
    %div3A_90 = arith.divf %sub3A_79, %div3A_89 : vector<1024x128xf32>
    %get3A_91 = arith.constant 0 : index
    %get3A_92 = arith.constant 0 : index
    %get3A_93 = vector.load %arg9[%get3A_91, %get3A_92] : memref<1x128xf32, #tpu.memory_space<vmem>>, vector<1x128xf32>
    %mul3A_94 = vector.broadcast %get3A_93 : vector<1x128xf32> to vector<1024x128xf32>
    %mul3A_95 = arith.mulf %div3A_90, %mul3A_94 : vector<1024x128xf32>
    %get3A_96 = arith.constant 0 : index
    %get3A_97 = arith.constant 0 : index
    %get3A_98 = vector.load %arg10[%get3A_96, %get3A_97] : memref<1x128xf32, #tpu.memory_space<vmem>>, vector<1x128xf32>
    %add3A_99 = vector.broadcast %get3A_98 : vector<1x128xf32> to vector<1024x128xf32>
    %add3A_100 = arith.addf %mul3A_95, %add3A_99 : vector<1024x128xf32>
    %get3A_101 = arith.constant 0 : index
    %get3A_102 = arith.constant 0 : index
    %get3A_103 = vector.load %arg3[%get3A_101, %get3A_102] : memref<1024x128xf32, #tpu.memory_space<vmem>>, vector<1024x128xf32>
    %get3A_104 = arith.constant 0 : index
    %get3A_105 = arith.constant 0 : index
    %get3A_106 = vector.load %arg4[%get3A_104, %get3A_105] : memref<1024x128xf32, #tpu.memory_space<vmem>>, vector<1024x128xf32>
    %add3A_107 = arith.addf %get3A_103, %get3A_106 : vector<1024x128xf32>
    %add3A_108 = arith.addf %dot_general3A_33, %select_n3A_61 : vector<1024x128xf32>
    %add3A_109 = arith.addf %add3A_108, %add3A_107 : vector<1024x128xf32>
    %add3A_110 = arith.addf %add3A_109, %add3A_100 : vector<1024x128xf32>
    %swap3A = arith.constant 0 : index
    %swap3A_111 = arith.constant 0 : index
    %swap3A_112 = vector.load %arg11[%swap3A, %swap3A_111] : memref<1024x128xf32, #tpu.memory_space<vmem>>, vector<1024x128xf32>
    tpu.vector_store %arg11[%swap3A, %swap3A_111], %add3A_110 {strides = array<i32>} : memref<1024x128xf32, #tpu.memory_space<vmem>>, vector<1024x128xf32>,
    return
  }
  func.func @transform_0(%arg0: i32) -> (i32, i32) {
    %c0_i32 = arith.constant 0 : i32
    %c0_i32_0 = arith.constant 0 : i32
    return %arg0, %c0_i32 : i32, i32
  }
  func.func @transform_1(%arg0: i32) -> (i32, i32) {
    %c0_i32 = arith.constant 0 : i32
    %c0_i32_0 = arith.constant 0 : i32
    return %arg0, %c0_i32 : i32, i32
  }
  func.func @transform_2(%arg0: i32) -> (i32, i32) {
    %c0_i32 = arith.constant 0 : i32
    %c0_i32_0 = arith.constant 0 : i32
    return %arg0, %c0_i32 : i32, i32
  }
  func.func @transform_3(%arg0: i32) -> (i32, i32) {
    %add3A = arith.constant 200 : i32
    %add3A_0 = arith.addi %arg0, %add3A : i32
    %c0_i32 = arith.constant 0 : i32
    %c0_i32_1 = arith.constant 0 : i32
    return %add3A_0, %c0_i32 : i32, i32
  }
  func.func @transform_4(%arg0: i32) -> (i32, i32) {
    %c0_i32 = arith.constant 0 : i32
    %c0_i32_0 = arith.constant 0 : i32
    %c0_i32_1 = arith.constant 0 : i32
    return %c0_i32, %c0_i32_0 : i32, i32
  }
  func.func @transform_5(%arg0: i32) -> (i32, i32) {
    %c0_i32 = arith.constant 0 : i32
    %c0_i32_0 = arith.constant 0 : i32
    %c0_i32_1 = arith.constant 0 : i32
    return %c0_i32, %c0_i32_0 : i32, i32
  }
  func.func @transform_6(%arg0: i32) -> (i32, i32) {
    %c0_i32 = arith.constant 0 : i32
    %c0_i32_0 = arith.constant 0 : i32
    %c0_i32_1 = arith.constant 0 : i32
    return %c0_i32, %c0_i32_0 : i32, i32
  }
  func.func @transform_7(%arg0: i32) -> (i32, i32) {
    %c0_i32 = arith.constant 0 : i32
    %c0_i32_0 = arith.constant 0 : i32
    %c0_i32_1 = arith.constant 0 : i32
    return %c0_i32, %c0_i32_0 : i32, i32
  }
  func.func @transform_8(%arg0: i32) -> (i32, i32) {
    %c0_i32 = arith.constant 0 : i32
    %c0_i32_0 = arith.constant 0 : i32
    %c0_i32_1 = arith.constant 0 : i32
    return %c0_i32, %c0_i32_0 : i32, i32
  }
  func.func @transform_9(%arg0: i32) -> (i32, i32) {
    %c0_i32 = arith.constant 0 : i32
    %c0_i32_0 = arith.constant 0 : i32
    %c0_i32_1 = arith.constant 0 : i32
    return %c0_i32, %c0_i32_0 : i32, i32
  }
  func.func @transform_10(%arg0: i32) -> (i32, i32) {
    %c0_i32 = arith.constant 0 : i32
    %c0_i32_0 = arith.constant 0 : i32
    return %arg0, %c0_i32 : i32, i32
  }
}

</mosaic_0001>

<sc_bundles>
// kernel: kernel.5.cloned.1.call-start
scs
__scs_entry_jumppad:
0x0: {  	(pc) =	sbr.rel $0x88, $3  }
0x1: {  	(tag) =	ssettag $0x0;
	lr =	simm.s32 $0x1  }
0x2: {  	[smem:$0x3F96] =	sst lr;
	_ =	strace $0xD0000000  }
0x3: {  	_ = 	snop  }
0x4: {  	_ = 	snop  }
0x5: {  	_ = 	snop  }
0x6: {  	_ = 	snop  }
0x7: {  	_ = 	snop  }
__scs_overlays_trampoline_lowered:
0x8: {  	[smem:$0x3FA5] =	sst s0  }
0x9: {  	[smem:$0x3FA6] =	sst s1  }
0xa: {  	[smem:$0x3FA7] =	sst s2  }
0xb: {  	[smem:$0x3FA8] =	sst s3  }
0xc: {  	[smem:$0x3FA9] =	sst s4  }
0xd: {  	[smem:$0x3FAA] =	sst s5  }
0xe: {  	[smem:$0x3FAB] =	sst s6  }
0xf: {  	[smem:$0x3FAC] =	sst s7  }
0x10: {  	[smem:$0x3FAD] =	sst s8  }
0x11: {  	[smem:$0x3FAE] =	sst s9;
	s0 =	simm.s32 @!p0 $0x0  }
0x12: {  	s1 =	sld [smem:$0x3F94];
	s0 =	simm.s32 @p0 $0x1  }
0x13: {  	[smem:$0x3FAF] =	sst s0;
	s0 =	simm.s32 @!p1 $0x0  }
0x14: {  	s2 =	sld [smem:$0x3F93];
	s0 =	simm.s32 @p1 $0x1  }
0x15: {  	[smem:$0x3FB0] =	sst s0;
	s0 =	simm.s32 @!p2 $0x0  }
0x16: {  	s3 =	sld [smem:$0x3FDB];
	s0 =	simm.s32 @p2 $0x1  }
0x17: {  	s4 =	simm.s32 $0x1BF5;
	[smem:$0x3FB2] =	sst s0  }
0x18: {  	s0 =	sld [smem:$0x3F95];
	_ =	swait.ge [sflag:s4], $0x0  }
0x19: {  	s7 =	sld [smem:$0x3F96]  }
0x1a: {  	s8 =	sadd.s32 $0xFFFFE003, lr  }
0x1b: {  	s9 =	sadd.s32 $0xFFFFFEF7, lr;
	s5 =	simm.s32 $0xFFFFFFFF;
	p2 =	slt.u32 s8, $0xFFFFF086  }
0x1c: {  	p1 =	slt.u32 s9, $0xF7A;
	s5 =	simm.s32 @!p2 $0x0  }
0x1d: {  	s5 =	simm.s32 @p1 $0x1;
	p0 =	seq.s32 s7, s2  }
0x1e: {  	s7 =	smul.u32 @!p0 $0xF7A, s2;
	p2 =	seq.s32 @!p0 s5, $0x0  }
0x1f: {  	s9 =	smul.u32 $0xF7A, s1;
	s8 =	simm.s32 @!p0 $0x1BF5;
	p2 =	por !p2, p0  }
0x20: {  	[sflag:s8] =	ssyncset.s32 @!p0 $0xFFFFF086;
	s6 =	sadd.s32 @!p0 s3, s7;
	s7 =	simm.s32 @!p0 $0x108  }
0x21: {  	s3 =	sadd.s32 s3, s9;
	s6 =	sadd.s32 @!p0 $0x88, s6;
	s7 =	simm.s32 @p2 $0x1082  }
0x22: {  	[simem:s7], [sflag:s8] =	dma.local @!p0 [hbm:s6], $0xF7A  }
0x23: {  	s9 =	sor.u32 $0xD0000000, s2;
	s6 =	simm.s32 $0x108;
	_ =	swait.ge @!p0 [sflag:s8], $0x0  }
0x24: {  	s3 =	sadd.s32 $0x88, s3;
	s6 =	simm.s32 @!p1 $0x1082;
	[sflag:s4] =	ssyncset.s32 $0xFFFFF086  }
0x25: {  	[simem:s6], [sflag:s4] =	dma.local [hbm:s3], $0xF7A  }
0x26: {  	[smem:$0x3F96] =	sst s1;
	(tag) =	ssettag s2;
	_ =	strace s9  }
0x27: {  	s1 =	sld [smem:$0x3FA6]  }
0x28: {  	s2 =	sld [smem:$0x3FA7]  }
0x29: {  	s4 =	sld [smem:$0x3FA9]  }
0x2a: {  	p0 =	seq.s32 s5, $0x0;
	s5 =	sld [smem:$0x3FAA]  }
0x2b: {  	s6 =	sld [smem:$0x3FAB]  }
0x2c: {  	s7 =	sld [smem:$0x3FAC]  }
0x2d: {  	s3 =	simm.s32 $0x108;
	s8 =	sld [smem:$0x3FAD]  }
0x2e: {  	s3 =	simm.s32 @!p0 $0x1082;
	s9 =	sld [smem:$0x3FAE]  }
0x2f: {  	lr =	sadd.s32 s0, s3;
	s0 =	sld [smem:$0x3FA5]  }
0x30: {  	s3 =	sld [smem:$0x3FA8]  }
0x31: {  	[smem:$0x3FB1] =	sst s10  }
0x32: {  	s10 =	sld [smem:$0x3FAF];
	_ =	sdelay $0x3  }
0x33: {  	p0 =	seq.s32 s10, $0x1;
	s10 =	sld [smem:$0x3FB1];
	_ =	sdelay $0x3  }
0x34: {  	[smem:$0x3FB1] =	sst s10  }
0x35: {  	s10 =	sld [smem:$0x3FB0];
	_ =	sdelay $0x3  }
0x36: {  	p1 =	seq.s32 s10, $0x1;
	s10 =	sld [smem:$0x3FB1];
	_ =	sdelay $0x3  }
0x37: {  	[smem:$0x3FB1] =	sst s10  }
0x38: {  	s10 =	sld [smem:$0x3FB2]  }
0x39: {  	_ = 	snop;
	(pc) =	sbr.ind lr, $3  }
0x3a: {  	_ = 	snop  }
0x3b: {  	_ = 	snop  }
0x3c: {  	p2 =	seq.s32 s10, $0x1;
	s10 =	sld [smem:$0x3FB1]  }
0x3d: {  	_ =	shalt  }
0x3e: {  	_ =	shalt  }
0x3f: {  	_ =	shalt  }
0x40: {  	_ =	shalt  }
0x41: {  	_ =	shalt  }
0x42: {  	_ =	shalt  }
0x43: {  	_ =	shalt  }
0x44: {  	_ =	shalt  }
0x45: {  	_ =	shalt  }
0x46: {  	_ =	shalt  }
0x47: {  	_ =	shalt  }
0x48: {  	_ =	shalt  }
0x49: {  	_ =	shalt  }
0x4a: {  	_ =	shalt  }
0x4b: {  	_ =	shalt  }
0x4c: {  	_ =	shalt  }
0x4d: {  	_ =	shalt  }
0x4e: {  	_ =	shalt  }
0x4f: {  	_ =	shalt  }
0x50: {  	_ =	shalt  }
0x51: {  	_ =	shalt  }
0x52: {  	_ =	shalt  }
0x53: {  	_ =	shalt  }
0x54: {  	_ =	shalt  }
0x55: {  	_ =	shalt  }
0x56: {  	_ =	shalt  }
0x57: {  	_ =	shalt  }
0x58: {  	_ =	shalt  }
0x59: {  	_ =	shalt  }
0x5a: {  	_ =	shalt  }
0x5b: {  	_ =	shalt  }
0x5c: {  	_ =	shalt  }
0x5d: {  	_ =	shalt  }
0x5e: {  	_ =	shalt  }
0x5f: {  	_ =	shalt  }
0x60: {  	_ =	shalt  }
0x61: {  	_ =	shalt  }
0x62: {  	_ =	shalt  }
0x63: {  	_ =	shalt  }
0x64: {  	_ =	shalt  }
0x65: {  	_ =	shalt  }
0x66: {  	_ =	shalt  }
0x67: {  	_ =	shalt  }
0x68: {  	_ =	shalt  }
0x69: {  	_ =	shalt  }
0x6a: {  	_ =	shalt  }
0x6b: {  	_ =	shalt  }
0x6c: {  	_ =	shalt  }
0x6d: {  	_ =	shalt  }
0x6e: {  	_ =	shalt  }
0x6f: {  	_ =	shalt  }
0x70: {  	_ =	shalt  }
0x71: {  	_ =	shalt  }
0x72: {  	_ =	shalt  }
0x73: {  	_ =	shalt  }
0x74: {  	_ =	shalt  }
0x75: {  	_ =	shalt  }
0x76: {  	_ =	shalt  }
0x77: {  	_ =	shalt  }
0x78: {  	_ =	shalt  }
0x79: {  	_ =	shalt  }
0x7a: {  	_ =	shalt  }
0x7b: {  	_ =	shalt  }
0x7c: {  	_ =	shalt  }
0x7d: {  	_ =	shalt  }
0x7e: {  	_ =	shalt  }
0x7f: {  	_ =	shalt  }
0x80: {  	_ =	shalt  }
0x81: {  	_ =	shalt  }
0x82: {  	_ =	shalt  }
0x83: {  	_ =	shalt  }
0x84: {  	_ =	shalt  }
0x85: {  	_ =	shalt  }
0x86: {  	_ =	shalt  }
0x87: {  	_ =	shalt  }
.Lfunc_end0:
.L_simem_size_0:
called_computation_lowered:
.L_overlay_start_0:
0x88: {  	s2 =	sld [smem:$0x3FD9]  }
0x89: {  	s3 =	sld [smem:$0x3FFE];
	_ =	sdelay $0x1  }
0x8a: {  	s1 =	srdreg.scid  }
0x8b: {  	s0 =	sand.u32 $0x1, s1  }
0x8c: {  	s16 =	sshll.u32 s0, $0xA;
	s2 =	sadd.s32 s3, s2  }
0x8d: {  	s2 =	sadd.s32 s2, s16  }
0x8e: {  	[smem:$0x3FBD] =	sst s2  }
0x8f: {  	_ = 	snop  }
0x90: {  	(tm) =	ssettm $0x1  }
0x91: {  	s17 =	sld [smem:$0x3FFB];
	_ =	sdelay $0x3  }
0x92: {  	_ =	strace s17  }
0x93: {  	s2 =	sld [smem:$0x3FFC];
	_ =	sdelay $0x3  }
0x94: {  	_ =	strace s2  }
0x95: {  	s2 =	sld [smem:$0x3FFD];
	_ =	sdelay $0x3  }
0x96: {  	_ =	strace s2  }
0x97: {  	_ =	strace $0x8FFFFFFF  }
0x98: {  	s18 =	sld [smem:$0x3FDB];
	_ =	sdelay $0x1  }
0x99: {  	s19 =	simm.s32 $_scs_section_size  }
0x9a: {  	s4 =	simm.s32 $_size__tile_overlayer_lowered;
	s5 =	simm.s32 $_tile_overlayer_lowered  }
0x9b: {  	s22 =	simm.s32 $0x1BFF;
	s21 =	sshll.u32 s5, $0x1;
	s2 =	sadd.s32 s19, s18  }
0x9c: {  	s6 =	simm.s32 $0x0;
	s20 =	sshll.u32 s4, $0x1;
	s4 =	sadd.s32 s21, s2  }
0x9d: {  	[timem:s6], [sflag:s22] =	dma.local [hbm:s4], s20  }
0x9e: {  	_ =	swait.ge [sflag:s22], s20  }
0x9f: {  	s3 =	ssub.s32 $0x0, s20;
	[sflag:s22] =	ssyncset.done $0x0  }
0xa0: {  	[sflag:s22] =	ssyncadd.s32 s3;
	_ =	sdelay $0x1  }
0xa1: {  	s23 =	simm.s32 $0x1B8B  }
0xa2: {  	_ =	swait.ge [sflag:s23], $0x1  }
0xa3: {  	[sflag:s23] =	ssyncset.done $0x0  }
0xa4: {  	s25 =	simm.s32 $0x1B8E;
	s24 =	sld [smem:$0x3FFE];
	[sflag:s23] =	ssyncadd.s32 $0xFFFFFFFF  }
0xa5: {  	s26 =	simm.s32 $execute0_lowered;
	[smem:$0x3FD2] =	sst s25  }
0xa6: {  	s4 =	sshll.u32 s26, $0x1;
	_ =	strace $0x80000046;
	[dreg:$0x1] =	wrdreg $0xFFFFFFFF  }
0xa7: {  	s28 =	simm.s32 $_size_execute0_lowered;
	s2 =	sadd.s32 s2, s4;
	[dreg:$0x0] =	wrdreg $0x0  }
0xa8: {  	s4 =	sshll.u32 s28, $0x1;
	[dreg:$0x2] =	wrdreg s2  }
0xa9: {  	[dreg:$0x3] =	wrdreg s4  }
0xaa: {  	[dreg:$0x4] =	wrdreg $0xC0  }
0xab: {  	_ =	task [dreg:s6], $0x5FFFF  }
0xac: {  	[dreg:$0x1] =	wrdreg $0xFFFFFFFF  }
0xad: {  	[dreg:$0x0] =	wrdreg $0x60  }
0xae: {  	[dreg:$0x2] =	wrdreg s24  }
0xaf: {  	[dreg:$0x3] =	wrdreg $0x9  }
0xb0: {  	_ =	task.clear_ibuf [dreg:s6], $0x4FFFF;
	_ =	strace $0x90000046  }
0xb1: {  	s29 =	simm.s32 $0x9;
	_ =	strace $0x80000048  }
0xb2: {  	_ =	swait.ge [sflag:s29], $0x1  }
0xb3: {  	[sflag:s29] =	ssyncadd.s32 $0xFFFFFFFF  }
0xb4: {  	_ =	strace $0x90000048  }
0xb5: {  	_ =	sfence  }
0xb6: {  	s30 =	sld [smem:$0x0];
	_ =	sdelay $0x2  }
0xb7: {  	s31 =	sshll.u32 s1, $0xD;
	s1 =	sshrl.u32 s1, $0x2  }
0xb8: {  	s3 =	sand.u32 $0x4000, s31;
	s1 =	sadd.s32 s1, s30  }
0xb9: {  	s0 =	sor.u32 s3, s0;
	s1 =	sshll.u32 s1, $0x11  }
0xba: {  	s0 =	sor.u32 s1, s0  }
0xbb: {  	s0 =	sadd.s32 $0x8F2B, s0  }
0xbc: {  	[sflag:s0] =	ssyncadd.remote.s32 $0x1  }
0xbd: {  	_ =	sfence.sel $0xFFFF  }
0xbe: {  	[dreg:$0x0] =	wrdreg $0xFFFFFFFF;
	(pc) =	sbr.abs _section_cstart, $3  }
0xbf: {  	[dreg:$0x1] =	wrdreg $0xFFFFFFFF  }
0xc0: {  	_ =	task.clear_ibuf [dreg:s6], $0x2FFFF;
	_ =	strace $0x9FFFFFFF  }
0xc1: {  	(tm) =	ssettm $0x7FFFFFFF  }
tec
execute0_lowered:
.L_overlay_start_1:
0x0: {  	(tag) =	ssettag $0x1  }
0x1: {  	s1 =	srdreg.scid  }
0x2: {  	s0 =	stileid.u32;
	s4 =	rddreg [dreg:$0x0];
	s2 =	simm.s32 $0x0  }
0x3: {  	s13 =	simm.s32 $0xB200;
	s14 =	simm.s32 $0x1;
	s15 =	simm.s32 $0x2  }
0x4: {  	s16 =	simm.s32 $0x3;
	s17 =	simm.s32 $0x4;
	s18 =	simm.s32 $0x0  }
0x5: {  	s5 =	sand.u32 $0x1, s1;
	s1 =	rddreg [dreg:$0x1];
	s9 =	smul.u32 $0x64000, s0  }
0x6: {  	s3 =	sshll.u32 s0, $0x1;
	[smem:$0x7FF] =	sst s2;
	s11 =	smul.u32 $0x320000, s0  }
0x7: {  	s10 =	sadd.s32 $0x226E00, s4;
	s6 =	sor.u32 s5, s3;
	s12 =	smul.u32 $0x190000, s5  }
0x8: {  	_ =	strace $0x80000047;
	s8 =	ssub.s32 $0x2, s5;
	s31 =	smul.u32 $0x32000, s5  }
0x9: {  	s3 =	sadd.s32 $0x6C400, s4;
	s7 =	smul.u32 $0x640, s6;
	s30 =	sshrl.u32 s8, $0x1  }
0xa: {  	s6 =	smul.u32 $0x190000, s6;
	s9 =	sadd.s32 s9, s10;
	s8 =	ssub.s32 s8, s30  }
0xb: {  	s11 =	sadd.s32 s12, s11;
	s9 =	sadd.s32 s31, s9;
	s12 =	simm.s32 $0x3200  }
0xc: {  	s7 =	sadd.s32 s7, s4;
	s6 =	sshrl.u32 s6, $0x3;
	s11 =	sshrl.u32 s11, $0x3  }
0xd: {  	s4 =	sadd.s32 $0x21A600, s7;
	s6 =	sadd.s32 s10, s6;
	s7 =	smax.u32 s8, $0x1  }
0xe: {  	s8 =	sadd.s32 $0x1000, s9;
	s9 =	sadd.s32 s11, s10;
	s10 =	simm.s32 $0x5  }
0xf: {  	s11 =	simm.s32 $0x100;
	s5 =	sadd.s32 $0x30000, s6;
	s6 =	sadd.s32 $0x31000, s6  }
.LBB2_1:
0x10: {  	[tilespmem:s2], [sflag:$0x5] =	stream.linear.gather [hbm4b:s4+s2], $0x3200, $0x38;
	[tilespmem:$0x13200] =	vst v63  }
0x11: {  	_ =	swait.ge [sflag:s10], $0x3200  }
0x12: {  	[sflag:s10] =	ssyncset.done $0x0  }
0x13: {  	[sflag:s10] =	ssyncadd.s32 $0xFFFFCE00  }
0x14: {  	[tilespmem:s12], [sflag:$0x1] =	stream.indirect.gather [hbm4b:s3+s11], $0x80, s2, s11, $0xb8;
	[tilespmem:$0x13200] =	vst v63  }
0x15: {  	_ = 	snop  }
0x16: {  	[tilespmem:s13], [sflag:$0x2] =	stream.indirect.gather [hbm4b:s3+s11], $0x80, s11, s11, $0xb8;
	[tilespmem:$0x13200] =	vst v63  }
0x17: {  	_ =	swait.ge [sflag:s14], $0x8000  }
0x18: {  	[sflag:s14] =	ssyncset.done $0x0  }
0x19: {  	s19 =	sadd.s32 $0x0, s9;
	[sflag:s14] =	ssyncadd.s32 $0xFFFF8000  }
0x1a: {  	[hbm4b:s19+s2] =	stream.linear.scatter [tilespmem:s12], [sflag:$0x3], $0x8000, $0x38;
	[tilespmem:$0x13200] =	vst v63  }
0x1b: {  	_ =	swait.ge [sflag:s15], $0x8000  }
0x1c: {  	[sflag:s15] =	ssyncset.done $0x0  }
0x1d: {  	s30 =	sadd.s32 $0x0, s8;
	[sflag:s15] =	ssyncadd.s32 $0xFFFF8000  }
0x1e: {  	[hbm4b:s30+s2] =	stream.linear.scatter [tilespmem:s13], [sflag:$0x4], $0x8000, $0x38;
	[tilespmem:$0x13200] =	vst v63  }
0x1f: {  	_ =	swait.ge [sflag:s16], $0x8000  }
0x20: {  	[sflag:s16] =	ssyncset.done $0x0  }
0x21: {  	s31 =	simm.s32 $0x200;
	[sflag:s16] =	ssyncadd.s32 $0xFFFF8000  }
0x22: {  	[tilespmem:s12], [sflag:$0x1] =	stream.indirect.gather [hbm4b:s3+s11], $0x80, s31, s11, $0xb8;
	[tilespmem:$0x13200] =	vst v63  }
0x23: {  	_ =	swait.ge [sflag:s17], $0x8000  }
0x24: {  	s20 =	simm.s32 $0x2000;
	[sflag:s17] =	ssyncset.done $0x0  }
0x25: {  	s21 =	simm.s32 $0x500;
	s19 =	simm.s32 $0x300;
	[sflag:s17] =	ssyncadd.s32 $0xFFFF8000  }
.LBB2_2:
0x26: {  	[tilespmem:s13], [sflag:$0x2] =	stream.indirect.gather [hbm4b:s3+s11], $0x80, s19, s11, $0xb8;
	[tilespmem:$0x13200] =	vst v63  }
0x27: {  	s22 =	smov.u32 s20;
	s19 =	smov.u32 s21  }
0x28: {  	p0 =	sne.s32 s20, $0x2E000;
	s20 =	sadd.s32 $0x2000, s20;
	_ =	swait.ge [sflag:s14], $0x8000  }
0x29: {  	[sflag:s14] =	ssyncset.done $0x0  }
0x2a: {  	s23 =	sadd.s32 s22, s9;
	[sflag:s14] =	ssyncadd.s32 $0xFFFF8000  }
0x2b: {  	[hbm4b:s23+s2] =	stream.linear.scatter [tilespmem:s12], [sflag:$0x3], $0x8000, $0x38;
	[tilespmem:$0x13200] =	vst v63  }
0x2c: {  	_ =	swait.ge [sflag:s15], $0x8000  }
0x2d: {  	[sflag:s15] =	ssyncset.done $0x0  }
0x2e: {  	s22 =	sadd.s32 s22, s8;
	[sflag:s15] =	ssyncadd.s32 $0xFFFF8000  }
0x2f: {  	[hbm4b:s22+s2] =	stream.linear.scatter [tilespmem:s13], [sflag:$0x4], $0x8000, $0x38;
	[tilespmem:$0x13200] =	vst v63  }
0x30: {  	_ =	swait.ge [sflag:s16], $0x8000  }
0x31: {  	[sflag:s16] =	ssyncset.done $0x0  }
.Ltmp0:
0x32: {  	s22 =	sadd.s32 $0xFFFFFF00, s21;
	[sflag:s16] =	ssyncadd.s32 $0xFFFF8000;
	(pc) =	sbr.rel @p0 .LBB2_2-.Ltmp0, $4  }
0x33: {  	[tilespmem:s12], [sflag:$0x1] =	stream.indirect.gather [hbm4b:s3+s11], $0x80, s22, s11, $0xb8;
	[tilespmem:$0x13200] =	vst v63  }
0x34: {  	_ =	swait.ge [sflag:s17], $0x8000  }
0x35: {  	[sflag:s17] =	ssyncset.done $0x0  }
0x36: {  	s21 =	sadd.s32 $0x200, s21;
	[sflag:s17] =	ssyncadd.s32 $0xFFFF8000  }
0x37: {  	[tilespmem:s13], [sflag:$0x2] =	stream.indirect.gather [hbm4b:s3+s11], $0x80, s19, s11, $0xb8;
	[tilespmem:$0x13200] =	vst v63  }
0x38: {  	_ =	swait.ge [sflag:s14], $0x8000  }
0x39: {  	[sflag:s14] =	ssyncset.done $0x0  }
0x3a: {  	[sflag:s14] =	ssyncadd.s32 $0xFFFF8000  }
0x3b: {  	[hbm4b:s5+s2] =	stream.linear.scatter [tilespmem:s12], [sflag:$0x3], $0x8000, $0x38;
	[tilespmem:$0x13200] =	vst v63  }
0x3c: {  	_ =	swait.ge [sflag:s15], $0x8000  }
0x3d: {  	[sflag:s15] =	ssyncset.done $0x0  }
0x3e: {  	s18 =	sadd.s32 $0x1, s18;
	[sflag:s15] =	ssyncadd.s32 $0xFFFF8000  }
0x3f: {  	[hbm4b:s6+s2] =	stream.linear.scatter [tilespmem:s13], [sflag:$0x4], $0x8000, $0x38;
	[tilespmem:$0x13200] =	vst v63  }
0x40: {  	p0 =	sne.s32 s18, s7;
	_ =	swait.ge [sflag:s16], $0x8000  }
.Ltmp1:
0x41: {  	[sflag:s16] =	ssyncset.done $0x0;
	(pc) =	sbr.rel @p0 .LBB2_1-.Ltmp1, $4  }
0x42: {  	[sflag:s16] =	ssyncadd.s32 $0xFFFF8000  }
0x43: {  	_ =	swait.ge [sflag:s17], $0x8000  }
0x44: {  	[sflag:s17] =	ssyncset.done $0x0  }
0x45: {  	[sflag:s17] =	ssyncadd.s32 $0xFFFF8000  }
0x46: {  	_ =	sfence.sel $0x180000  }
0x47: {  	[bflag:$0x0] =	sbarrier.arrive $0xFFFF  }
0x48: {  	p0 =	sne.s32 s0, $0x0;
	_ =	strace $0x90000047  }
0x49: {  	s0 =	sadd.s32 @!p0 $0x100000, s1;
	[bflag:$0x2] =	sbarrier.arrive $0xFFFF  }
0x4a: {  	[sflag:s0] =	ssyncadd.tile.s32 @!p0 $0x1;
	_ =	shalt  }
.Lfunc_end2:
_tile_overlayer_lowered:
.L_overlay_start_2:
0x4b: {  	(tag) =	ssettag $0x2  }
0x4c: {  	s0 =	rddreg [dreg:$0x0];
	s2 =	stileid.u32  }
0x4d: {  	s1 =	rddreg [dreg:$0x1];
	p0 =	sne.s32 s2, $0x0  }
0x4e: {  	s3 =	rddreg [dreg:$0x2];
	[bflag:$0x3] =	sbarrier.arrive $0xFFFF;
	s2 =	simm.s32 @!p0 $0x1C05  }
0x4f: {  	[timem:s3], [sflag:s2] =	dma.local @!p0 [hbm:s0], s1  }
0x50: {  	s0 =	simm.s32 @!p0 $0x5  }
0x51: {  	_ =	swait.ge @!p0 [sflag:s0], s1  }
0x52: {  	s1 =	ssub.s32 @!p0 $0x0, s1;
	[sflag:s0] =	ssyncset.done @!p0 $0x0  }
0x53: {  	[sflag:s0] =	ssyncadd.s32 @!p0 s1  }
0x54: {  	[bflag:$0x3] =	sbarrier.arrive $0xFFFF  }
0x55: {  	_ =	shalt  }

</sc_bundles>
